<compile_context>
chip_gen: v7x
topology: tpu7x:2x2x1
jax: 0.10.2.dev20260603
libtpu: 0.0.44.dev20260713+nightly
codegen_flags: <defaults>
</compile_context>

<pallas_src>
import functools

import jax
import jax.numpy as jnp
from jax import lax
from jax.experimental import pallas as pl
from jax.experimental.pallas import tpu as pltpu
from jax.experimental.pallas import tpu_sc as plsc


def _main_body(x_ref, m_ref, sft_ref, idx_ref, *, n_total, blk, nch, ct):
    b = pl.program_id(0)
    i = pl.program_id(1)
    off = i * blk
    xb = x_ref[0]
    mb = m_ref[0]
    C = xb.shape[0]
    N = xb.shape[1]
    xblk = x_ref[0, :, pl.ds(off, blk)]
    mblk = m_ref[0, :, pl.ds(off, blk)]
    qblk = (xblk * mblk).astype(jnp.bfloat16)
    sfblk = xblk * (1.0 - mblk)
    eye = (lax.broadcasted_iota(jnp.int32, (C, C), 0) ==
           lax.broadcasted_iota(jnp.int32, (C, C), 1)).astype(jnp.float32)
    sft_ref[0, :, :C] = lax.dot_general(
        sfblk, eye, (((0,), (0,)), ((), ())),
        preferred_element_type=jnp.float32)
    sf_bf = (xb * (1.0 - mb)).astype(jnp.bfloat16)
    run_mx = jnp.full((blk, 1), -jnp.inf, jnp.float32)
    run_am = jnp.zeros((blk, 1), jnp.int32)
    col = lax.broadcasted_iota(jnp.int32, (blk, ct), 1)
    for j in range(N // ct):
        s = lax.dot_general(qblk, sf_bf[:, j * ct:(j + 1) * ct],
                            (((0,), (0,)), ((), ())),
                            preferred_element_type=jnp.float32)
        mxj = jnp.max(s, axis=1, keepdims=True)
        amj = jnp.min(jnp.where(s >= mxj, col, ct), axis=1,
                      keepdims=True) + j * ct
        better = mxj > run_mx
        run_am = jnp.where(better, amj, run_am)
        run_mx = jnp.maximum(run_mx, mxj)
    idx_ref[...] = (run_am[:, 0] + b * n_total).reshape(1, nch, 128)


def _main(x3, m3, blk, ct):
    B, C, N = x3.shape
    nb = N // blk
    nch = blk // 128
    body = functools.partial(_main_body, n_total=N, blk=blk, nch=nch, ct=ct)
    return pl.pallas_call(
        body,
        grid=(B, nb),
        in_specs=[
            pl.BlockSpec((1, C, N), lambda b, i: (b, 0, 0)),
            pl.BlockSpec((1, 1, N), lambda b, i: (b, 0, 0)),
        ],
        out_specs=[
            pl.BlockSpec((1, blk, 128), lambda b, i: (b, i, 0)),
            pl.BlockSpec((1, nch, 128), lambda b, i: (b * nb + i, 0, 0)),
        ],
        out_shape=[
            jax.ShapeDtypeStruct((B, N, 128), jnp.float32),
            jax.ShapeDtypeStruct((B * nb, nch, 128), jnp.int32),
        ],
    )(x3, m3)


def _sc_gather(table, idx3):
    bt, D = table.shape
    R, CH, chunk = idx3.shape
    info = plsc.get_sparse_core_info()
    nw = info.num_cores * info.num_subcores
    cpw = (R * CH) // nw
    mesh = plsc.VectorSubcoreMesh(core_axis_name="c", subcore_axis_name="s")

    @functools.partial(
        pl.kernel,
        mesh=mesh,
        out_type=jax.ShapeDtypeStruct((R, CH, chunk, D), jnp.float32),
        scratch_types=[
            pltpu.VMEM((cpw, chunk), jnp.int32),
            pltpu.VMEM((cpw, chunk, D), jnp.float32),
            pltpu.SemaphoreType.DMA,
        ],
    )
    def gather_k(table_hbm, idx_hbm, out_hbm, idx_v, rows_v, sem):
        wid = lax.axis_index("s") * info.num_cores + lax.axis_index("c")
        g0 = wid * cpw
        row = g0 // CH
        inner = g0 % CH
        pltpu.sync_copy(idx_hbm.at[row, pl.ds(inner, cpw)], idx_v)
        cps = [pltpu.async_copy(table_hbm.at[idx_v.at[j]], rows_v.at[j], sem)
               for j in range(cpw)]
        for cp in cps:
            cp.wait()
        pltpu.sync_copy(rows_v, out_hbm.at[row, pl.ds(inner, cpw)])

    return gather_k(table, idx3).reshape(bt, D)


def _fuse_body(selt_ref, x_ref, m_ref, w_ref, b_ref, out_ref):
    xb = x_ref[0]
    mb = m_ref[0]
    C = xb.shape[0]
    qfb = xb * mb
    sfb = xb * (1.0 - mb)
    sel = jnp.transpose(selt_ref[0, :, :C])
    v = jnp.sum(qfb * sel, axis=0, keepdims=True)
    e = jnp.exp(v - jnp.max(v))
    sw = e / jnp.sum(e)
    fuse = sel * sw
    hybrid = jnp.concatenate([fuse, qfb], axis=0)
    out = lax.dot_general(w_ref[...], hybrid, (((1,), (0,)), ((), ())),
                          preferred_element_type=jnp.float32)
    out = out + b_ref[...]
    out_ref[0] = out * mb + sfb


def _fuse(selt, x3, m3, W, b2):
    B, C, N = x3.shape
    return pl.pallas_call(
        _fuse_body,
        grid=(B,),
        in_specs=[
            pl.BlockSpec((1, N, 128), lambda b: (b, 0, 0)),
            pl.BlockSpec((1, C, N), lambda b: (b, 0, 0)),
            pl.BlockSpec((1, 1, N), lambda b: (b, 0, 0)),
            pl.BlockSpec((C, 2 * C), lambda b: (0, 0)),
            pl.BlockSpec((C, 1), lambda b: (0, 0)),
        ],
        out_specs=pl.BlockSpec((1, C, N), lambda b: (b, 0, 0)),
        out_shape=jax.ShapeDtypeStruct((B, C, N), jnp.float32),
    )(selt, x3, m3, W, b2)


def kernel(x, mask, W, b):
    B, C, H, Wd = x.shape
    N = H * Wd
    h, w = mask.shape[2], mask.shape[3]
    ih = (jnp.arange(H) * h) // H
    iw = (jnp.arange(Wd) * w) // Wd
    m3 = mask[:, :, ih, :][:, :, :, iw].reshape(B, 1, N)
    x3 = x.reshape(B, C, N)

    sft, idx3 = _main(x3, m3, 4096, 1024)
    selt = _sc_gather(sft.reshape(B * N, 128), idx3)
    out = _fuse(selt.reshape(B, N, 128), x3, m3, W, b.reshape(C, 1))
    return out.reshape(B, C, H, Wd)

# --- scband reference (transcript-rebuilt; emitter-appended) ---
"""Pipeline reference for scband-local-dynamics-71871982731546 (READ-ONLY COPY).

The authoritative reference and input builder live on the scoring server;
editing this copy changes nothing except your own understanding.
"""

import jax, jax.numpy as jnp
import numpy as np


def nearest_resize(m, H, W):
    # Faithful to torch F.interpolate(mode='nearest'): src = floor(dst * in/out)
    h, w = m.shape[2], m.shape[3]
    ih = (jnp.arange(H) * h) // H
    iw = (jnp.arange(W) * w) // W
    return m[:, :, ih, :][:, :, :, iw]


def setup_inputs(seed: int = 0) -> dict:
    key = jax.random.key(seed)
    k1, k2, k3 = jax.random.split(key, 3)
    B, C, H, W = 4, 64, 64, 64
    x = jax.random.normal(k1, (B, C, H, W), dtype=jnp.float32)
    mask = jax.random.uniform(k2, (B, 1, 32, 32), dtype=jnp.float32)
    # Conv1d(dims_in*2, dims_in, kernel_size=1) == pointwise linear: weight [C, 2C], bias [C]
    Wl = jax.random.normal(k3, (C, 2 * C), dtype=jnp.float32) * 0.02
    bl = jnp.zeros((C,), dtype=jnp.float32)
    return {"x": x, "mask": mask, "W": Wl, "b": bl}


def reference(x, mask, W, b):
    B, C, H, Wd = x.shape
    m = jax.lax.stop_gradient(mask)  # mask.detach() in torch
    m = nearest_resize(m, H, Wd)
    qf = (x * m).reshape(B, C, -1)          # flattened_features_query
    sf = (x * (1.0 - m)).reshape(B, C, -1)  # flattened_features_support
    N = qf.shape[-1]
    k = 1
    # simi_matrix[b, n, m] = <qf[b, :, n], sf[b, :, m]>
    simi = jnp.einsum('bcn,bcm->bnm', qf, sf)
    vals, idx = jax.lax.top_k(simi, k)      # [B, N, k]
    idx2 = idx[:, :, 0]                      # [B, N]
    w2 = vals[:, :, 0]                       # [B, N]
    # torch gather(support, 2, index expanded over C)
    select = jnp.take_along_axis(sf, jnp.broadcast_to(idx2[:, None, :], (B, C, N)), axis=2)
    wv = jnp.broadcast_to(w2[:, None, :], (B, C, N))
    select4 = select.reshape(B, C, k, N)
    wv4 = wv.reshape(B, C, k, N)
    # nn.Softmax(dim=-1) applied to [1, C, k, N] -> softmax over N (last dim), faithful to original
    wv4 = jax.nn.softmax(wv4, axis=-1)
    fuse = jnp.sum(wv4 * select4, axis=-2)   # sum over k dim -> [B, C, N]
    hybrid = jnp.concatenate([fuse, qf], axis=1)  # [B, 2C, N]
    out = jnp.einsum('oc,bcn->bon', W, hybrid) + b[None, :, None]
    refined = out.reshape(B, C, H, Wd)
    return refined * m + x * (1.0 - m)

if __name__ == "__main__":
    import jax
    _d = setup_inputs()
    print(jax.jit(kernel)(*tuple(_d.values())))

</pallas_src>

<mosaic_0001>
#map = affine_map<(d0, d1) -> (0, 0)>
#map1 = affine_map<(d0, d1) -> (0, 0, 0)>
#map2 = affine_map<(d0, d1) -> (0, 0, 0, 0)>
module attributes {stable_mosaic.version = 14 : i64} {
  func.func @gather_k(%arg0: i32, %arg1: i32, %arg2: memref<16384x128xf32, #tpu.memory_space<hbm>>, %arg3: memref<4x32x128xi32, #tpu.memory_space<hbm>>, %arg4: memref<4x32x128x128xf32, #tpu.memory_space<hbm>>, %arg5: memref<4x128xi32, #tpu.memory_space<vmem>>, %arg6: memref<4x128x128xf32, #tpu.memory_space<vmem>>, %arg7: memref<!tpu.dma_semaphore, #tpu.memory_space<semaphore_mem>>) attributes {dimension_semantics = [#tpu.dimension_semantics<core_parallel>, #tpu.dimension_semantics<subcore_parallel>], iteration_bounds = array<i64: 2, 16>, scalar_prefetch = 0 : i64, scratch_operands = 3 : i64, tpu.core_type = #tpu.core_type<sc_vector_subcore>, window_params = [{transform_indices = #map}, {transform_indices = #map1}, {transform_indices = #map2}]} {
    %mul3A = arith.constant 2 : i32
    %mul3A_0 = arith.muli %arg1, %mul3A : i32
    %add3A = arith.addi %mul3A_0, %arg0 : i32
    %mul3A_1 = arith.constant 4 : i32
    %mul3A_2 = arith.muli %add3A, %mul3A_1 : i32
    %jit3A = arith.constant 32 : i32
    %div3A = arith.divsi %mul3A_2, %jit3A : i32
    %sign3A = arith.constant 0 : i32
    %sign3A_3 = arith.cmpi sgt, %mul3A_2, %sign3A : i32
    %sign3A_4 = arith.extui %sign3A_3 : i1 to i32
    %sign3A_5 = arith.constant 0 : i32
    %sign3A_6 = arith.cmpi slt, %mul3A_2, %sign3A_5 : i32
    %sign3A_7 = arith.extui %sign3A_6 : i1 to i32
    %sign3A_8 = arith.subi %sign3A_4, %sign3A_7 : i32
    %sign3A_9 = arith.constant 0 : i32
    %sign3A_10 = arith.cmpi sgt, %jit3A, %sign3A_9 : i32
    %sign3A_11 = arith.extui %sign3A_10 : i1 to i32
    %sign3A_12 = arith.constant 0 : i32
    %sign3A_13 = arith.cmpi slt, %jit3A, %sign3A_12 : i32
    %sign3A_14 = arith.extui %sign3A_13 : i1 to i32
    %sign3A_15 = arith.subi %sign3A_11, %sign3A_14 : i32
    %ne3A = arith.cmpi ne, %sign3A_8, %sign3A_15 : i32
    %rem3A = arith.remsi %mul3A_2, %jit3A : i32
    %ne3A_16 = arith.constant 0 : i32
    %ne3A_17 = arith.cmpi ne, %rem3A, %ne3A_16 : i32
    %and3A = arith.andi %ne3A, %ne3A_17 : i1
    %sub3A = arith.constant 1 : i32
    %sub3A_18 = arith.subi %div3A, %sub3A : i32
    %select_n3A = arith.select %and3A, %sub3A_18, %div3A : i32
    %jit3A_19 = arith.constant 32 : i32
    %eq3A = arith.constant 0 : i32
    %eq3A_20 = arith.cmpi eq, %jit3A_19, %eq3A : i32
    %jit3A_21 = arith.constant 1 : i32
    %select_n3A_22 = arith.select %eq3A_20, %jit3A_21, %jit3A_19 : i32
    %rem3A_23 = arith.remsi %mul3A_2, %select_n3A_22 : i32
    %ne3A_24 = arith.constant 0 : i32
    %ne3A_25 = arith.cmpi ne, %rem3A_23, %ne3A_24 : i32
    %lt3A = arith.constant 0 : i32
    %lt3A_26 = arith.cmpi slt, %rem3A_23, %lt3A : i32
    %lt3A_27 = arith.constant 0 : i32
    %lt3A_28 = arith.cmpi slt, %select_n3A_22, %lt3A_27 : i32
    %ne3A_29 = arith.xori %lt3A_26, %lt3A_28 : i1
    %and3A_30 = arith.andi %ne3A_29, %ne3A_25 : i1
    %add3A_31 = arith.addi %rem3A_23, %select_n3A_22 : i32
    %select_n3A_32 = arith.select %and3A_30, %add3A_31, %rem3A_23 : i32
    "tpu.region"() ({
      %run_scoped3A = tpu.sem_alloc : memref<!tpu.dma_semaphore, #tpu.memory_space<semaphore_mem>>
      %dma_start3A_127 = arith.constant 0 : i32
      %dma_start3A_128 = tpu.memref_slice %arg3[%select_n3A, %select_n3A_32, %dma_start3A_127] : memref<4x32x128xi32, #tpu.memory_space<hbm>> -> memref<1x4x128xi32, #tpu.memory_space<hbm>>
      %dma_start3A_129 = tpu.memref_squeeze %dma_start3A_128 : memref<1x4x128xi32, #tpu.memory_space<hbm>> -> memref<4x128xi32, #tpu.memory_space<hbm>>
      %dma_start3A_130 = arith.constant 0 : i32
      %dma_start3A_131 = tpu.memref_slice %arg3[%select_n3A, %select_n3A_32, %dma_start3A_130] : memref<4x32x128xi32, #tpu.memory_space<hbm>> -> memref<1x4x128xi32, #tpu.memory_space<hbm>>
      %dma_start3A_132 = tpu.memref_squeeze %dma_start3A_131 : memref<1x4x128xi32, #tpu.memory_space<hbm>> -> memref<4x128xi32, #tpu.memory_space<hbm>>
      tpu.enqueue_dma source(%dma_start3A_132 : memref<4x128xi32, #tpu.memory_space<hbm>>) target(%arg5 : memref<4x128xi32, #tpu.memory_space<vmem>>) target_semaphore(%run_scoped3A : memref<!tpu.dma_semaphore, #tpu.memory_space<semaphore_mem>>)
      %dma_wait3A_133 = arith.constant 0 : i32
      %dma_wait3A_134 = tpu.memref_slice %arg3[%select_n3A, %select_n3A_32, %dma_wait3A_133] : memref<4x32x128xi32, #tpu.memory_space<hbm>> -> memref<1x4x128xi32, #tpu.memory_space<hbm>>
      %dma_wait3A_135 = tpu.memref_squeeze %dma_wait3A_134 : memref<1x4x128xi32, #tpu.memory_space<hbm>> -> memref<4x128xi32, #tpu.memory_space<hbm>>
      %dma_wait3A_136 = arith.constant 0 : i32
      %dma_wait3A_137 = tpu.memref_slice %arg3[%select_n3A, %select_n3A_32, %dma_wait3A_136] : memref<4x32x128xi32, #tpu.memory_space<hbm>> -> memref<1x4x128xi32, #tpu.memory_space<hbm>>
      %dma_wait3A_138 = tpu.memref_squeeze %dma_wait3A_137 : memref<1x4x128xi32, #tpu.memory_space<hbm>> -> memref<4x128xi32, #tpu.memory_space<hbm>>
      tpu.wait_dma2 semaphore(%run_scoped3A : memref<!tpu.dma_semaphore, #tpu.memory_space<semaphore_mem>>) src(%dma_wait3A_138 : memref<4x128xi32, #tpu.memory_space<hbm>>) dst(%arg5 : memref<4x128xi32, #tpu.memory_space<vmem>>)
      tpu.yield
    }) : () -> ()
    %dma_start3A = arith.constant 0 : i32
    %dma_start3A_33 = arith.constant 0 : i32
    %dma_start3A_34 = arith.constant 0 : i32
    %dma_start3A_35 = arith.constant 0 : i32
    %dma_start3A_36 = tpu.memref_slice %arg6[%dma_start3A_33, %dma_start3A_34, %dma_start3A_35] : memref<4x128x128xf32, #tpu.memory_space<vmem>> -> memref<1x128x128xf32, #tpu.memory_space<vmem>>
    %dma_start3A_37 = tpu.memref_squeeze %dma_start3A_36 : memref<1x128x128xf32, #tpu.memory_space<vmem>> -> memref<128x128xf32, #tpu.memory_space<vmem>>
    %dma_start3A_38 = arith.constant 0 : i32
    %dma_start3A_39 = tpu.memref_slice %arg5[%dma_start3A, %dma_start3A_38] : memref<4x128xi32, #tpu.memory_space<vmem>> -> memref<1x128xi32, #tpu.memory_space<vmem>>
    %dma_start3A_40 = tpu.memref_squeeze %dma_start3A_39 : memref<1x128xi32, #tpu.memory_space<vmem>> -> memref<128xi32, #tpu.memory_space<vmem>>
    %dma_start3A_41 = arith.constant 0 : i32
    %dma_start3A_42 = arith.constant 0 : i32
    %dma_start3A_43 = tpu.memref_slice %arg2[%dma_start3A_41, %dma_start3A_42] : memref<16384x128xf32, #tpu.memory_space<hbm>> -> memref<16384x128xf32, #tpu.memory_space<hbm>>
    tpu.enqueue_indirect_dma source(%dma_start3A_43 : memref<16384x128xf32, #tpu.memory_space<hbm>>) target(%dma_start3A_37 : memref<128x128xf32, #tpu.memory_space<vmem>>) offsets(%dma_start3A_40 : memref<128xi32, #tpu.memory_space<vmem>>) semaphore(%arg7 : memref<!tpu.dma_semaphore, #tpu.memory_space<semaphore_mem>>)
    %dma_start3A_44 = arith.constant 1 : i32
    %dma_start3A_45 = arith.constant 1 : i32
    %dma_start3A_46 = arith.constant 0 : i32
    %dma_start3A_47 = arith.constant 0 : i32
    %dma_start3A_48 = tpu.memref_slice %arg6[%dma_start3A_45, %dma_start3A_46, %dma_start3A_47] : memref<4x128x128xf32, #tpu.memory_space<vmem>> -> memref<1x128x128xf32, #tpu.memory_space<vmem>>
    %dma_start3A_49 = tpu.memref_squeeze %dma_start3A_48 : memref<1x128x128xf32, #tpu.memory_space<vmem>> -> memref<128x128xf32, #tpu.memory_space<vmem>>
    %dma_start3A_50 = arith.constant 0 : i32
    %dma_start3A_51 = tpu.memref_slice %arg5[%dma_start3A_44, %dma_start3A_50] : memref<4x128xi32, #tpu.memory_space<vmem>> -> memref<1x128xi32, #tpu.memory_space<vmem>>
    %dma_start3A_52 = tpu.memref_squeeze %dma_start3A_51 : memref<1x128xi32, #tpu.memory_space<vmem>> -> memref<128xi32, #tpu.memory_space<vmem>>
    %dma_start3A_53 = arith.constant 0 : i32
    %dma_start3A_54 = arith.constant 0 : i32
    %dma_start3A_55 = tpu.memref_slice %arg2[%dma_start3A_53, %dma_start3A_54] : memref<16384x128xf32, #tpu.memory_space<hbm>> -> memref<16384x128xf32, #tpu.memory_space<hbm>>
    tpu.enqueue_indirect_dma source(%dma_start3A_55 : memref<16384x128xf32, #tpu.memory_space<hbm>>) target(%dma_start3A_49 : memref<128x128xf32, #tpu.memory_space<vmem>>) offsets(%dma_start3A_52 : memref<128xi32, #tpu.memory_space<vmem>>) semaphore(%arg7 : memref<!tpu.dma_semaphore, #tpu.memory_space<semaphore_mem>>)
    %dma_start3A_56 = arith.constant 2 : i32
    %dma_start3A_57 = arith.constant 2 : i32
    %dma_start3A_58 = arith.constant 0 : i32
    %dma_start3A_59 = arith.constant 0 : i32
    %dma_start3A_60 = tpu.memref_slice %arg6[%dma_start3A_57, %dma_start3A_58, %dma_start3A_59] : memref<4x128x128xf32, #tpu.memory_space<vmem>> -> memref<1x128x128xf32, #tpu.memory_space<vmem>>
    %dma_start3A_61 = tpu.memref_squeeze %dma_start3A_60 : memref<1x128x128xf32, #tpu.memory_space<vmem>> -> memref<128x128xf32, #tpu.memory_space<vmem>>
    %dma_start3A_62 = arith.constant 0 : i32
    %dma_start3A_63 = tpu.memref_slice %arg5[%dma_start3A_56, %dma_start3A_62] : memref<4x128xi32, #tpu.memory_space<vmem>> -> memref<1x128xi32, #tpu.memory_space<vmem>>
    %dma_start3A_64 = tpu.memref_squeeze %dma_start3A_63 : memref<1x128xi32, #tpu.memory_space<vmem>> -> memref<128xi32, #tpu.memory_space<vmem>>
    %dma_start3A_65 = arith.constant 0 : i32
    %dma_start3A_66 = arith.constant 0 : i32
    %dma_start3A_67 = tpu.memref_slice %arg2[%dma_start3A_65, %dma_start3A_66] : memref<16384x128xf32, #tpu.memory_space<hbm>> -> memref<16384x128xf32, #tpu.memory_space<hbm>>
    tpu.enqueue_indirect_dma source(%dma_start3A_67 : memref<16384x128xf32, #tpu.memory_space<hbm>>) target(%dma_start3A_61 : memref<128x128xf32, #tpu.memory_space<vmem>>) offsets(%dma_start3A_64 : memref<128xi32, #tpu.memory_space<vmem>>) semaphore(%arg7 : memref<!tpu.dma_semaphore, #tpu.memory_space<semaphore_mem>>)
    %dma_start3A_68 = arith.constant 3 : i32
    %dma_start3A_69 = arith.constant 3 : i32
    %dma_start3A_70 = arith.constant 0 : i32
    %dma_start3A_71 = arith.constant 0 : i32
    %dma_start3A_72 = tpu.memref_slice %arg6[%dma_start3A_69, %dma_start3A_70, %dma_start3A_71] : memref<4x128x128xf32, #tpu.memory_space<vmem>> -> memref<1x128x128xf32, #tpu.memory_space<vmem>>
    %dma_start3A_73 = tpu.memref_squeeze %dma_start3A_72 : memref<1x128x128xf32, #tpu.memory_space<vmem>> -> memref<128x128xf32, #tpu.memory_space<vmem>>
    %dma_start3A_74 = arith.constant 0 : i32
    %dma_start3A_75 = tpu.memref_slice %arg5[%dma_start3A_68, %dma_start3A_74] : memref<4x128xi32, #tpu.memory_space<vmem>> -> memref<1x128xi32, #tpu.memory_space<vmem>>
    %dma_start3A_76 = tpu.memref_squeeze %dma_start3A_75 : memref<1x128xi32, #tpu.memory_space<vmem>> -> memref<128xi32, #tpu.memory_space<vmem>>
    %dma_start3A_77 = arith.constant 0 : i32
    %dma_start3A_78 = arith.constant 0 : i32
    %dma_start3A_79 = tpu.memref_slice %arg2[%dma_start3A_77, %dma_start3A_78] : memref<16384x128xf32, #tpu.memory_space<hbm>> -> memref<16384x128xf32, #tpu.memory_space<hbm>>
    tpu.enqueue_indirect_dma source(%dma_start3A_79 : memref<16384x128xf32, #tpu.memory_space<hbm>>) target(%dma_start3A_73 : memref<128x128xf32, #tpu.memory_space<vmem>>) offsets(%dma_start3A_76 : memref<128xi32, #tpu.memory_space<vmem>>) semaphore(%arg7 : memref<!tpu.dma_semaphore, #tpu.memory_space<semaphore_mem>>)
    %dma_wait3A = arith.constant 0 : i32
    %dma_wait3A_80 = arith.constant 0 : i32
    %dma_wait3A_81 = arith.constant 0 : i32
    %dma_wait3A_82 = arith.constant 0 : i32
    %dma_wait3A_83 = tpu.memref_slice %arg6[%dma_wait3A_80, %dma_wait3A_81, %dma_wait3A_82] : memref<4x128x128xf32, #tpu.memory_space<vmem>> -> memref<1x128x128xf32, #tpu.memory_space<vmem>>
    %dma_wait3A_84 = tpu.memref_squeeze %dma_wait3A_83 : memref<1x128x128xf32, #tpu.memory_space<vmem>> -> memref<128x128xf32, #tpu.memory_space<vmem>>
    %dma_wait3A_85 = arith.constant 0 : i32
    %dma_wait3A_86 = tpu.memref_slice %arg5[%dma_wait3A, %dma_wait3A_85] : memref<4x128xi32, #tpu.memory_space<vmem>> -> memref<1x128xi32, #tpu.memory_space<vmem>>
    %dma_wait3A_87 = tpu.memref_squeeze %dma_wait3A_86 : memref<1x128xi32, #tpu.memory_space<vmem>> -> memref<128xi32, #tpu.memory_space<vmem>>
    %dma_wait3A_88 = arith.constant 0 : i32
    %dma_wait3A_89 = arith.constant 0 : i32
    %dma_wait3A_90 = tpu.memref_slice %arg2[%dma_wait3A_88, %dma_wait3A_89] : memref<16384x128xf32, #tpu.memory_space<hbm>> -> memref<16384x128xf32, #tpu.memory_space<hbm>>
    tpu.wait_indirect_dma semaphore(%arg7 : memref<!tpu.dma_semaphore, #tpu.memory_space<semaphore_mem>>) src(%dma_wait3A_90 : memref<16384x128xf32, #tpu.memory_space<hbm>>) dst(%dma_wait3A_84 : memref<128x128xf32, #tpu.memory_space<vmem>>)
    %dma_wait3A_91 = arith.constant 1 : i32
    %dma_wait3A_92 = arith.constant 1 : i32
    %dma_wait3A_93 = arith.constant 0 : i32
    %dma_wait3A_94 = arith.constant 0 : i32
    %dma_wait3A_95 = tpu.memref_slice %arg6[%dma_wait3A_92, %dma_wait3A_93, %dma_wait3A_94] : memref<4x128x128xf32, #tpu.memory_space<vmem>> -> memref<1x128x128xf32, #tpu.memory_space<vmem>>
    %dma_wait3A_96 = tpu.memref_squeeze %dma_wait3A_95 : memref<1x128x128xf32, #tpu.memory_space<vmem>> -> memref<128x128xf32, #tpu.memory_space<vmem>>
    %dma_wait3A_97 = arith.constant 0 : i32
    %dma_wait3A_98 = tpu.memref_slice %arg5[%dma_wait3A_91, %dma_wait3A_97] : memref<4x128xi32, #tpu.memory_space<vmem>> -> memref<1x128xi32, #tpu.memory_space<vmem>>
    %dma_wait3A_99 = tpu.memref_squeeze %dma_wait3A_98 : memref<1x128xi32, #tpu.memory_space<vmem>> -> memref<128xi32, #tpu.memory_space<vmem>>
    %dma_wait3A_100 = arith.constant 0 : i32
    %dma_wait3A_101 = arith.constant 0 : i32
    %dma_wait3A_102 = tpu.memref_slice %arg2[%dma_wait3A_100, %dma_wait3A_101] : memref<16384x128xf32, #tpu.memory_space<hbm>> -> memref<16384x128xf32, #tpu.memory_space<hbm>>
    tpu.wait_indirect_dma semaphore(%arg7 : memref<!tpu.dma_semaphore, #tpu.memory_space<semaphore_mem>>) src(%dma_wait3A_102 : memref<16384x128xf32, #tpu.memory_space<hbm>>) dst(%dma_wait3A_96 : memref<128x128xf32, #tpu.memory_space<vmem>>)
    %dma_wait3A_103 = arith.constant 2 : i32
    %dma_wait3A_104 = arith.constant 2 : i32
    %dma_wait3A_105 = arith.constant 0 : i32
    %dma_wait3A_106 = arith.constant 0 : i32
    %dma_wait3A_107 = tpu.memref_slice %arg6[%dma_wait3A_104, %dma_wait3A_105, %dma_wait3A_106] : memref<4x128x128xf32, #tpu.memory_space<vmem>> -> memref<1x128x128xf32, #tpu.memory_space<vmem>>
    %dma_wait3A_108 = tpu.memref_squeeze %dma_wait3A_107 : memref<1x128x128xf32, #tpu.memory_space<vmem>> -> memref<128x128xf32, #tpu.memory_space<vmem>>
    %dma_wait3A_109 = arith.constant 0 : i32
    %dma_wait3A_110 = tpu.memref_slice %arg5[%dma_wait3A_103, %dma_wait3A_109] : memref<4x128xi32, #tpu.memory_space<vmem>> -> memref<1x128xi32, #tpu.memory_space<vmem>>
    %dma_wait3A_111 = tpu.memref_squeeze %dma_wait3A_110 : memref<1x128xi32, #tpu.memory_space<vmem>> -> memref<128xi32, #tpu.memory_space<vmem>>
    %dma_wait3A_112 = arith.constant 0 : i32
    %dma_wait3A_113 = arith.constant 0 : i32
    %dma_wait3A_114 = tpu.memref_slice %arg2[%dma_wait3A_112, %dma_wait3A_113] : memref<16384x128xf32, #tpu.memory_space<hbm>> -> memref<16384x128xf32, #tpu.memory_space<hbm>>
    tpu.wait_indirect_dma semaphore(%arg7 : memref<!tpu.dma_semaphore, #tpu.memory_space<semaphore_mem>>) src(%dma_wait3A_114 : memref<16384x128xf32, #tpu.memory_space<hbm>>) dst(%dma_wait3A_108 : memref<128x128xf32, #tpu.memory_space<vmem>>)
    %dma_wait3A_115 = arith.constant 3 : i32
    %dma_wait3A_116 = arith.constant 3 : i32
    %dma_wait3A_117 = arith.constant 0 : i32
    %dma_wait3A_118 = arith.constant 0 : i32
    %dma_wait3A_119 = tpu.memref_slice %arg6[%dma_wait3A_116, %dma_wait3A_117, %dma_wait3A_118] : memref<4x128x128xf32, #tpu.memory_space<vmem>> -> memref<1x128x128xf32, #tpu.memory_space<vmem>>
    %dma_wait3A_120 = tpu.memref_squeeze %dma_wait3A_119 : memref<1x128x128xf32, #tpu.memory_space<vmem>> -> memref<128x128xf32, #tpu.memory_space<vmem>>
    %dma_wait3A_121 = arith.constant 0 : i32
    %dma_wait3A_122 = tpu.memref_slice %arg5[%dma_wait3A_115, %dma_wait3A_121] : memref<4x128xi32, #tpu.memory_space<vmem>> -> memref<1x128xi32, #tpu.memory_space<vmem>>
    %dma_wait3A_123 = tpu.memref_squeeze %dma_wait3A_122 : memref<1x128xi32, #tpu.memory_space<vmem>> -> memref<128xi32, #tpu.memory_space<vmem>>
    %dma_wait3A_124 = arith.constant 0 : i32
    %dma_wait3A_125 = arith.constant 0 : i32
    %dma_wait3A_126 = tpu.memref_slice %arg2[%dma_wait3A_124, %dma_wait3A_125] : memref<16384x128xf32, #tpu.memory_space<hbm>> -> memref<16384x128xf32, #tpu.memory_space<hbm>>
    tpu.wait_indirect_dma semaphore(%arg7 : memref<!tpu.dma_semaphore, #tpu.memory_space<semaphore_mem>>) src(%dma_wait3A_126 : memref<16384x128xf32, #tpu.memory_space<hbm>>) dst(%dma_wait3A_120 : memref<128x128xf32, #tpu.memory_space<vmem>>)
    "tpu.region"() ({
      %run_scoped3A = tpu.sem_alloc : memref<!tpu.dma_semaphore, #tpu.memory_space<semaphore_mem>>
      %dma_start3A_127 = arith.constant 0 : i32
      %dma_start3A_128 = arith.constant 0 : i32
      %dma_start3A_129 = tpu.memref_slice %arg4[%select_n3A, %select_n3A_32, %dma_start3A_127, %dma_start3A_128] : memref<4x32x128x128xf32, #tpu.memory_space<hbm>> -> memref<1x4x128x128xf32, #tpu.memory_space<hbm>>
      %dma_start3A_130 = tpu.memref_squeeze %dma_start3A_129 : memref<1x4x128x128xf32, #tpu.memory_space<hbm>> -> memref<4x128x128xf32, #tpu.memory_space<hbm>>
      %dma_start3A_131 = arith.constant 0 : i32
      %dma_start3A_132 = arith.constant 0 : i32
      %dma_start3A_133 = tpu.memref_slice %arg4[%select_n3A, %select_n3A_32, %dma_start3A_131, %dma_start3A_132] : memref<4x32x128x128xf32, #tpu.memory_space<hbm>> -> memref<1x4x128x128xf32, #tpu.memory_space<hbm>>
      %dma_start3A_134 = tpu.memref_squeeze %dma_start3A_133 : memref<1x4x128x128xf32, #tpu.memory_space<hbm>> -> memref<4x128x128xf32, #tpu.memory_space<hbm>>
      tpu.enqueue_dma source(%arg6 : memref<4x128x128xf32, #tpu.memory_space<vmem>>) target(%dma_start3A_134 : memref<4x128x128xf32, #tpu.memory_space<hbm>>) target_semaphore(%run_scoped3A : memref<!tpu.dma_semaphore, #tpu.memory_space<semaphore_mem>>)
      %dma_wait3A_135 = arith.constant 0 : i32
      %dma_wait3A_136 = arith.constant 0 : i32
      %dma_wait3A_137 = tpu.memref_slice %arg4[%select_n3A, %select_n3A_32, %dma_wait3A_135, %dma_wait3A_136] : memref<4x32x128x128xf32, #tpu.memory_space<hbm>> -> memref<1x4x128x128xf32, #tpu.memory_space<hbm>>
      %dma_wait3A_138 = tpu.memref_squeeze %dma_wait3A_137 : memref<1x4x128x128xf32, #tpu.memory_space<hbm>> -> memref<4x128x128xf32, #tpu.memory_space<hbm>>
      %dma_wait3A_139 = arith.constant 0 : i32
      %dma_wait3A_140 = arith.constant 0 : i32
      %dma_wait3A_141 = tpu.memref_slice %arg4[%select_n3A, %select_n3A_32, %dma_wait3A_139, %dma_wait3A_140] : memref<4x32x128x128xf32, #tpu.memory_space<hbm>> -> memref<1x4x128x128xf32, #tpu.memory_space<hbm>>
      %dma_wait3A_142 = tpu.memref_squeeze %dma_wait3A_141 : memref<1x4x128x128xf32, #tpu.memory_space<hbm>> -> memref<4x128x128xf32, #tpu.memory_space<hbm>>
      tpu.wait_dma2 semaphore(%run_scoped3A : memref<!tpu.dma_semaphore, #tpu.memory_space<semaphore_mem>>) src(%arg6 : memref<4x128x128xf32, #tpu.memory_space<vmem>>) dst(%dma_wait3A_142 : memref<4x128x128xf32, #tpu.memory_space<hbm>>)
      tpu.yield
    }) : () -> ()
    return
  }
}

module attributes {stable_mosaic.version = 14 : i64} {
  func.func @_fuse_body(%arg0: i32, %arg1: memref<1x4096x128xf32, #tpu.memory_space<vmem>>, %arg2: memref<1x64x4096xf32, #tpu.memory_space<vmem>>, %arg3: memref<1x1x4096xf32, #tpu.memory_space<vmem>>, %arg4: memref<64x128xf32, #tpu.memory_space<vmem>>, %arg5: memref<64x1xf32, #tpu.memory_space<vmem>>, %arg6: memref<1x64x4096xf32, #tpu.memory_space<vmem>>) attributes {dimension_semantics = [#tpu.dimension_semantics<arbitrary>], iteration_bounds = array<i64: 4>, scalar_prefetch = 0 : i64, scratch_operands = 0 : i64, tpu.core_type = #tpu.core_type<tc>, window_params = [{transform_indices = @transform_0, window_bounds = array<i64: 1, 4096, 128>}, {transform_indices = @transform_1, window_bounds = array<i64: 1, 64, 4096>}, {transform_indices = @transform_2, window_bounds = array<i64: 1, 1, 4096>}, {pipeline_mode = #tpu.pipeline_mode<synchronous>, transform_indices = @transform_3, window_bounds = array<i64: 64, 128>}, {pipeline_mode = #tpu.pipeline_mode<synchronous>, transform_indices = @transform_4, window_bounds = array<i64: 64, 1>}, {transform_indices = @transform_5, window_bounds = array<i64: 1, 64, 4096>}]} {
    %get3A = arith.constant 0 : index
    %get3A_0 = arith.constant 0 : index
    %get3A_1 = arith.constant 0 : index
    %get3A_2 = vector.load %arg2[%get3A, %get3A_0, %get3A_1] : memref<1x64x4096xf32, #tpu.memory_space<vmem>>, vector<1x64x4096xf32>
    %get3A_3 = vector.shape_cast %get3A_2 : vector<1x64x4096xf32> to vector<64x4096xf32>
    %get3A_4 = arith.constant 0 : index
    %get3A_5 = arith.constant 0 : index
    %get3A_6 = arith.constant 0 : index
    %get3A_7 = vector.load %arg3[%get3A_4, %get3A_5, %get3A_6] : memref<1x1x4096xf32, #tpu.memory_space<vmem>>, vector<1x1x4096xf32>
    %get3A_8 = vector.shape_cast %get3A_7 : vector<1x1x4096xf32> to vector<1x4096xf32>
    %mul3A = vector.broadcast %get3A_8 : vector<1x4096xf32> to vector<64x4096xf32>
    %mul3A_9 = arith.mulf %get3A_3, %mul3A : vector<64x4096xf32>
    %sub3A = arith.constant 1.000000e+00 : f32
    %sub3A_10 = vector.broadcast %sub3A : f32 to vector<1x4096xf32>
    %sub3A_11 = arith.subf %sub3A_10, %get3A_8 : vector<1x4096xf32>
    %mul3A_12 = vector.broadcast %sub3A_11 : vector<1x4096xf32> to vector<64x4096xf32>
    %mul3A_13 = arith.mulf %get3A_3, %mul3A_12 : vector<64x4096xf32>
    %get3A_14 = arith.constant 0 : index
    %get3A_15 = arith.constant 0 : index
    %get3A_16 = arith.constant 0 : index
    %get3A_17 = vector.load %arg1[%get3A_14, %get3A_15, %get3A_16] : memref<1x4096x128xf32, #tpu.memory_space<vmem>>, vector<1x4096x64xf32>
    %get3A_18 = vector.shape_cast %get3A_17 : vector<1x4096x64xf32> to vector<4096x64xf32>
    %transpose3A = tpu.transpose %get3A_18, [1, 0] : vector<4096x64xf32> -> vector<64x4096xf32>
    %mul3A_19 = arith.mulf %mul3A_9, %transpose3A : vector<64x4096xf32>
    %reduce_sum3A = arith.constant dense<0.000000e+00> : vector<4096xf32>
    %reduce_sum3A_20 = vector.multi_reduction <add>, %mul3A_19, %reduce_sum3A [0] : vector<64x4096xf32> to vector<4096xf32>
    %broadcast_in_dim3A = vector.shape_cast %reduce_sum3A_20 : vector<4096xf32> to vector<1x4096xf32>
    %reduce_max3A = vector.shape_cast %broadcast_in_dim3A : vector<1x4096xf32> to vector<1x1x4096xf32>
    %reduce_max3A_21 = arith.constant dense<0xFF800000> : vector<1xf32>
    %reduce_max3A_22 = vector.multi_reduction <maximumf>, %reduce_max3A, %reduce_max3A_21 [1, 2] : vector<1x1x4096xf32> to vector<1xf32>
    %reduce_max3A_23 = vector.shape_cast %reduce_max3A_22 : vector<1xf32> to vector<1x1x1xf32>
    %reduce_max3A_24 = vector.extract %reduce_max3A_23[0, 0, 0] : f32 from vector<1x1x1xf32>
    %sub3A_25 = vector.broadcast %reduce_max3A_24 : f32 to vector<1x4096xf32>
    %sub3A_26 = arith.subf %broadcast_in_dim3A, %sub3A_25 : vector<1x4096xf32>
    %exp3A = math.exp %sub3A_26 : vector<1x4096xf32>
    %reduce_sum3A_27 = vector.shape_cast %exp3A : vector<1x4096xf32> to vector<1x1x4096xf32>
    %reduce_sum3A_28 = arith.constant dense<0.000000e+00> : vector<1xf32>
    %reduce_sum3A_29 = vector.multi_reduction <add>, %reduce_sum3A_27, %reduce_sum3A_28 [1, 2] : vector<1x1x4096xf32> to vector<1xf32>
    %reduce_sum3A_30 = vector.shape_cast %reduce_sum3A_29 : vector<1xf32> to vector<1x1x1xf32>
    %reduce_sum3A_31 = vector.extract %reduce_sum3A_30[0, 0, 0] : f32 from vector<1x1x1xf32>
    %div3A = vector.broadcast %reduce_sum3A_31 : f32 to vector<1x4096xf32>
    %div3A_32 = arith.divf %exp3A, %div3A : vector<1x4096xf32>
    %mul3A_33 = vector.broadcast %div3A_32 : vector<1x4096xf32> to vector<64x4096xf32>
    %mul3A_34 = arith.mulf %transpose3A, %mul3A_33 : vector<64x4096xf32>
    %concatenate3A = tpu.concatenate %mul3A_34, %mul3A_9 in 0 : vector<64x4096xf32>, vector<64x4096xf32> -> vector<128x4096xf32>
    %get3A_35 = arith.constant 0 : index
    %get3A_36 = arith.constant 0 : index
    %get3A_37 = vector.load %arg4[%get3A_35, %get3A_36] : memref<64x128xf32, #tpu.memory_space<vmem>>, vector<64x128xf32>
    %dot_general3A = arith.constant dense<0.000000e+00> : vector<64x4096xf32>
    %dot_general3A_38 = tpu.matmul %get3A_37, %concatenate3A, %dot_general3A {dimension_numbers = #tpu.dot_dimension_numbers<[1], [0], [0], [1], [0, 0, 1, 1], [], []>, transpose_lhs_hint = false} : vector<64x128xf32>, vector<128x4096xf32>, vector<64x4096xf32> -> vector<64x4096xf32>
    %get3A_39 = arith.constant 0 : index
    %get3A_40 = arith.constant 0 : index
    %get3A_41 = vector.load %arg5[%get3A_39, %get3A_40] : memref<64x1xf32, #tpu.memory_space<vmem>>, vector<64x1xf32>
    %add3A = vector.broadcast %get3A_41 : vector<64x1xf32> to vector<64x4096xf32>
    %add3A_42 = arith.addf %dot_general3A_38, %add3A : vector<64x4096xf32>
    %mul3A_43 = vector.broadcast %get3A_8 : vector<1x4096xf32> to vector<64x4096xf32>
    %mul3A_44 = arith.mulf %add3A_42, %mul3A_43 : vector<64x4096xf32>
    %add3A_45 = arith.addf %mul3A_44, %mul3A_13 : vector<64x4096xf32>
    %swap3A = arith.constant 0 : index
    %swap3A_46 = arith.constant 0 : index
    %swap3A_47 = arith.constant 0 : index
    %swap3A_48 = vector.load %arg6[%swap3A, %swap3A_46, %swap3A_47] : memref<1x64x4096xf32, #tpu.memory_space<vmem>>, vector<1x64x4096xf32>
    %swap3A_49 = vector.shape_cast %swap3A_48 : vector<1x64x4096xf32> to vector<64x4096xf32>
    %swap3A_50 = vector.shape_cast %add3A_45 : vector<64x4096xf32> to vector<1x64x4096xf32>
    tpu.vector_store %arg6[%swap3A, %swap3A_46, %swap3A_47], %swap3A_50 {strides = array<i32>} : memref<1x64x4096xf32, #tpu.memory_space<vmem>>, vector<1x64x4096xf32>,
    return
  }
  func.func @transform_0(%arg0: i32) -> (i32, i32, i32) {
    %c0_i32 = arith.constant 0 : i32
    %c0_i32_0 = arith.constant 0 : i32
    %c0_i32_1 = arith.constant 0 : i32
    return %arg0, %c0_i32, %c0_i32_0 : i32, i32, i32
  }
  func.func @transform_1(%arg0: i32) -> (i32, i32, i32) {
    %c0_i32 = arith.constant 0 : i32
    %c0_i32_0 = arith.constant 0 : i32
    %c0_i32_1 = arith.constant 0 : i32
    return %arg0, %c0_i32, %c0_i32_0 : i32, i32, i32
  }
  func.func @transform_2(%arg0: i32) -> (i32, i32, i32) {
    %c0_i32 = arith.constant 0 : i32
    %c0_i32_0 = arith.constant 0 : i32
    %c0_i32_1 = arith.constant 0 : i32
    return %arg0, %c0_i32, %c0_i32_0 : i32, i32, i32
  }
  func.func @transform_3(%arg0: i32) -> (i32, i32) {
    %c0_i32 = arith.constant 0 : i32
    %c0_i32_0 = arith.constant 0 : i32
    %c0_i32_1 = arith.constant 0 : i32
    return %c0_i32, %c0_i32_0 : i32, i32
  }
  func.func @transform_4(%arg0: i32) -> (i32, i32) {
    %c0_i32 = arith.constant 0 : i32
    %c0_i32_0 = arith.constant 0 : i32
    %c0_i32_1 = arith.constant 0 : i32
    return %c0_i32, %c0_i32_0 : i32, i32
  }
  func.func @transform_5(%arg0: i32) -> (i32, i32, i32) {
    %c0_i32 = arith.constant 0 : i32
    %c0_i32_0 = arith.constant 0 : i32
    %c0_i32_1 = arith.constant 0 : i32
    return %arg0, %c0_i32, %c0_i32_0 : i32, i32, i32
  }
}

module attributes {stable_mosaic.version = 14 : i64} {
  func.func @_main_body(%arg0: i32, %arg1: i32, %arg2: memref<1x64x4096xf32, #tpu.memory_space<vmem>>, %arg3: memref<1x1x4096xf32, #tpu.memory_space<vmem>>, %arg4: memref<1x4096x128xf32, #tpu.memory_space<vmem>>, %arg5: memref<1x32x128xi32, #tpu.memory_space<vmem>>) attributes {dimension_semantics = [#tpu.dimension_semantics<arbitrary>, #tpu.dimension_semantics<arbitrary>], iteration_bounds = array<i64: 4, 1>, scalar_prefetch = 0 : i64, scratch_operands = 0 : i64, tpu.core_type = #tpu.core_type<tc>, window_params = [{transform_indices = @transform_0, window_bounds = array<i64: 1, 64, 4096>}, {transform_indices = @transform_1, window_bounds = array<i64: 1, 1, 4096>}, {transform_indices = @transform_2, window_bounds = array<i64: 1, 4096, 128>}, {transform_indices = @transform_3, window_bounds = array<i64: 1, 32, 128>}]} {
    %mul3A = arith.constant 4096 : i32
    %mul3A_0 = arith.muli %arg1, %mul3A : i32
    %get3A = arith.constant 0 : index
    %get3A_1 = arith.constant 0 : index
    %get3A_2 = arith.constant 0 : index
    %get3A_3 = vector.load %arg2[%get3A, %get3A_1, %get3A_2] : memref<1x64x4096xf32, #tpu.memory_space<vmem>>, vector<1x64x4096xf32>
    %get3A_4 = vector.shape_cast %get3A_3 : vector<1x64x4096xf32> to vector<64x4096xf32>
    %get3A_5 = arith.constant 0 : index
    %get3A_6 = arith.constant 0 : index
    %get3A_7 = arith.constant 0 : index
    %get3A_8 = vector.load %arg3[%get3A_5, %get3A_6, %get3A_7] : memref<1x1x4096xf32, #tpu.memory_space<vmem>>, vector<1x1x4096xf32>
    %get3A_9 = vector.shape_cast %get3A_8 : vector<1x1x4096xf32> to vector<1x4096xf32>
    %get3A_10 = arith.constant 0 : index
    %get3A_11 = arith.constant 0 : index
    %get3A_12 = arith.index_cast %mul3A_0 : i32 to index
    %get3A_13 = vector.load %arg2[%get3A_10, %get3A_11, %get3A_12] : memref<1x64x4096xf32, #tpu.memory_space<vmem>>, vector<1x64x4096xf32>
    %get3A_14 = vector.shape_cast %get3A_13 : vector<1x64x4096xf32> to vector<64x4096xf32>
    %get3A_15 = arith.constant 0 : index
    %get3A_16 = arith.constant 0 : index
    %get3A_17 = arith.index_cast %mul3A_0 : i32 to index
    %get3A_18 = vector.load %arg3[%get3A_15, %get3A_16, %get3A_17] : memref<1x1x4096xf32, #tpu.memory_space<vmem>>, vector<1x1x4096xf32>
    %get3A_19 = vector.shape_cast %get3A_18 : vector<1x1x4096xf32> to vector<1x4096xf32>
    %mul3A_20 = vector.broadcast %get3A_19 : vector<1x4096xf32> to vector<64x4096xf32>
    %mul3A_21 = arith.mulf %get3A_14, %mul3A_20 : vector<64x4096xf32>
    %convert_element_type3A = arith.truncf %mul3A_21 : vector<64x4096xf32> to vector<64x4096xbf16>
    %sub3A = arith.constant 1.000000e+00 : f32
    %sub3A_22 = vector.broadcast %sub3A : f32 to vector<1x4096xf32>
    %sub3A_23 = arith.subf %sub3A_22, %get3A_19 : vector<1x4096xf32>
    %mul3A_24 = vector.broadcast %sub3A_23 : vector<1x4096xf32> to vector<64x4096xf32>
    %mul3A_25 = arith.mulf %get3A_14, %mul3A_24 : vector<64x4096xf32>
    %iota3A = tpu.iota {dimensions = array<i32: 0>} : vector<64x64xi32>
    %iota3A_26 = tpu.iota {dimensions = array<i32: 1>} : vector<64x64xi32>
    %eq3A = arith.cmpi eq, %iota3A, %iota3A_26 : vector<64x64xi32>
    %convert_element_type3A_27 = arith.extui %eq3A : vector<64x64xi1> to vector<64x64xi32>
    %convert_element_type3A_28 = arith.sitofp %convert_element_type3A_27 : vector<64x64xi32> to vector<64x64xf32>
    %dot_general3A = arith.constant dense<0.000000e+00> : vector<4096x64xf32>
    %dot_general3A_29 = tpu.matmul %mul3A_25, %convert_element_type3A_28, %dot_general3A {dimension_numbers = #tpu.dot_dimension_numbers<[0], [0], [1], [1], [0, 1, 1, 1], [], []>, transpose_lhs_hint = false} : vector<64x4096xf32>, vector<64x64xf32>, vector<4096x64xf32> -> vector<4096x64xf32>
    %swap3A = arith.constant 0 : index
    %swap3A_30 = arith.constant 0 : index
    %swap3A_31 = arith.constant 0 : index
    %swap3A_32 = vector.load %arg4[%swap3A, %swap3A_30, %swap3A_31] : memref<1x4096x128xf32, #tpu.memory_space<vmem>>, vector<1x4096x64xf32>
    %swap3A_33 = vector.shape_cast %swap3A_32 : vector<1x4096x64xf32> to vector<4096x64xf32>
    %swap3A_34 = vector.shape_cast %dot_general3A_29 : vector<4096x64xf32> to vector<1x4096x64xf32>
    tpu.vector_store %arg4[%swap3A, %swap3A_30, %swap3A_31], %swap3A_34 {strides = array<i32>} : memref<1x4096x128xf32, #tpu.memory_space<vmem>>, vector<1x4096x64xf32>,
    %sub3A_35 = arith.constant 1.000000e+00 : f32
    %sub3A_36 = vector.broadcast %sub3A_35 : f32 to vector<1x4096xf32>
    %sub3A_37 = arith.subf %sub3A_36, %get3A_9 : vector<1x4096xf32>
    %mul3A_38 = vector.broadcast %sub3A_37 : vector<1x4096xf32> to vector<64x4096xf32>
    %mul3A_39 = arith.mulf %get3A_4, %mul3A_38 : vector<64x4096xf32>
    %convert_element_type3A_40 = arith.truncf %mul3A_39 : vector<64x4096xf32> to vector<64x4096xbf16>
    %broadcast_in_dim3A = arith.constant 0xFF800000 : f32
    %broadcast_in_dim3A_41 = vector.broadcast %broadcast_in_dim3A : f32 to vector<4096x1xf32>
    %broadcast_in_dim3A_42 = arith.constant 0 : i32
    %broadcast_in_dim3A_43 = vector.broadcast %broadcast_in_dim3A_42 : i32 to vector<4096x1xi32>
    %iota3A_44 = tpu.iota {dimensions = array<i32: 1>} : vector<4096x1024xi32>
    %slice3A = vector.extract_strided_slice %convert_element_type3A_40 {offsets = [0, 0], sizes = [64, 1024], strides = [1, 1]} : vector<64x4096xbf16> to vector<64x1024xbf16>
    %dot_general3A_45 = arith.constant dense<0.000000e+00> : vector<4096x1024xf32>
    %dot_general3A_46 = tpu.matmul %convert_element_type3A, %slice3A, %dot_general3A_45 {dimension_numbers = #tpu.dot_dimension_numbers<[0], [0], [1], [1], [0, 1, 1, 1], [], []>, transpose_lhs_hint = false} : vector<64x4096xbf16>, vector<64x1024xbf16>, vector<4096x1024xf32> -> vector<4096x1024xf32>
    %reduce_max3A = arith.constant dense<0xFF800000> : vector<4096xf32>
    %reduce_max3A_47 = vector.multi_reduction <maximumf>, %dot_general3A_46, %reduce_max3A [1] : vector<4096x1024xf32> to vector<4096xf32>
    %broadcast_in_dim3A_48 = vector.shape_cast %reduce_max3A_47 : vector<4096xf32> to vector<4096x1xf32>
    %ge3A = vector.broadcast %broadcast_in_dim3A_48 : vector<4096x1xf32> to vector<4096x1024xf32>
    %ge3A_49 = arith.cmpf oge, %dot_general3A_46, %ge3A : vector<4096x1024xf32>
    %jit3A = arith.constant 1024 : i32
    %broadcast_in_dim3A_50 = vector.broadcast %jit3A : i32 to vector<4096x1024xi32>
    %select_n3A = arith.select %ge3A_49, %iota3A_44, %broadcast_in_dim3A_50 : vector<4096x1024xi1>, vector<4096x1024xi32>
    %reduce_min3A = arith.constant dense<2147483647> : vector<4096xi32>
    %reduce_min3A_51 = vector.multi_reduction <minsi>, %select_n3A, %reduce_min3A [1] : vector<4096x1024xi32> to vector<4096xi32>
    %broadcast_in_dim3A_52 = vector.shape_cast %reduce_min3A_51 : vector<4096xi32> to vector<4096x1xi32>
    %add3A = arith.constant 0 : i32
    %add3A_53 = vector.broadcast %add3A : i32 to vector<4096x1xi32>
    %add3A_54 = arith.addi %broadcast_in_dim3A_52, %add3A_53 : vector<4096x1xi32>
    %gt3A = arith.cmpf ogt, %broadcast_in_dim3A_48, %broadcast_in_dim3A_41 : vector<4096x1xf32>
    %select_n3A_55 = arith.select %gt3A, %add3A_54, %broadcast_in_dim3A_43 : vector<4096x1xi1>, vector<4096x1xi32>
    %max3A = arith.maximumf %broadcast_in_dim3A_41, %broadcast_in_dim3A_48 : vector<4096x1xf32>
    %slice3A_56 = vector.extract_strided_slice %convert_element_type3A_40 {offsets = [0, 1024], sizes = [64, 1024], strides = [1, 1]} : vector<64x4096xbf16> to vector<64x1024xbf16>
    %dot_general3A_57 = arith.constant dense<0.000000e+00> : vector<4096x1024xf32>
    %dot_general3A_58 = tpu.matmul %convert_element_type3A, %slice3A_56, %dot_general3A_57 {dimension_numbers = #tpu.dot_dimension_numbers<[0], [0], [1], [1], [0, 1, 1, 1], [], []>, transpose_lhs_hint = false} : vector<64x4096xbf16>, vector<64x1024xbf16>, vector<4096x1024xf32> -> vector<4096x1024xf32>
    %reduce_max3A_59 = arith.constant dense<0xFF800000> : vector<4096xf32>
    %reduce_max3A_60 = vector.multi_reduction <maximumf>, %dot_general3A_58, %reduce_max3A_59 [1] : vector<4096x1024xf32> to vector<4096xf32>
    %broadcast_in_dim3A_61 = vector.shape_cast %reduce_max3A_60 : vector<4096xf32> to vector<4096x1xf32>
    %ge3A_62 = vector.broadcast %broadcast_in_dim3A_61 : vector<4096x1xf32> to vector<4096x1024xf32>
    %ge3A_63 = arith.cmpf oge, %dot_general3A_58, %ge3A_62 : vector<4096x1024xf32>
    %jit3A_64 = arith.constant 1024 : i32
    %broadcast_in_dim3A_65 = vector.broadcast %jit3A_64 : i32 to vector<4096x1024xi32>
    %select_n3A_66 = arith.select %ge3A_63, %iota3A_44, %broadcast_in_dim3A_65 : vector<4096x1024xi1>, vector<4096x1024xi32>
    %reduce_min3A_67 = arith.constant dense<2147483647> : vector<4096xi32>
    %reduce_min3A_68 = vector.multi_reduction <minsi>, %select_n3A_66, %reduce_min3A_67 [1] : vector<4096x1024xi32> to vector<4096xi32>
    %broadcast_in_dim3A_69 = vector.shape_cast %reduce_min3A_68 : vector<4096xi32> to vector<4096x1xi32>
    %add3A_70 = arith.constant 1024 : i32
    %add3A_71 = vector.broadcast %add3A_70 : i32 to vector<4096x1xi32>
    %add3A_72 = arith.addi %broadcast_in_dim3A_69, %add3A_71 : vector<4096x1xi32>
    %gt3A_73 = arith.cmpf ogt, %broadcast_in_dim3A_61, %max3A : vector<4096x1xf32>
    %select_n3A_74 = arith.select %gt3A_73, %add3A_72, %select_n3A_55 : vector<4096x1xi1>, vector<4096x1xi32>
    %max3A_75 = arith.maximumf %max3A, %broadcast_in_dim3A_61 : vector<4096x1xf32>
    %slice3A_76 = vector.extract_strided_slice %convert_element_type3A_40 {offsets = [0, 2048], sizes = [64, 1024], strides = [1, 1]} : vector<64x4096xbf16> to vector<64x1024xbf16>
    %dot_general3A_77 = arith.constant dense<0.000000e+00> : vector<4096x1024xf32>
    %dot_general3A_78 = tpu.matmul %convert_element_type3A, %slice3A_76, %dot_general3A_77 {dimension_numbers = #tpu.dot_dimension_numbers<[0], [0], [1], [1], [0, 1, 1, 1], [], []>, transpose_lhs_hint = false} : vector<64x4096xbf16>, vector<64x1024xbf16>, vector<4096x1024xf32> -> vector<4096x1024xf32>
    %reduce_max3A_79 = arith.constant dense<0xFF800000> : vector<4096xf32>
    %reduce_max3A_80 = vector.multi_reduction <maximumf>, %dot_general3A_78, %reduce_max3A_79 [1] : vector<4096x1024xf32> to vector<4096xf32>
    %broadcast_in_dim3A_81 = vector.shape_cast %reduce_max3A_80 : vector<4096xf32> to vector<4096x1xf32>
    %ge3A_82 = vector.broadcast %broadcast_in_dim3A_81 : vector<4096x1xf32> to vector<4096x1024xf32>
    %ge3A_83 = arith.cmpf oge, %dot_general3A_78, %ge3A_82 : vector<4096x1024xf32>
    %jit3A_84 = arith.constant 1024 : i32
    %broadcast_in_dim3A_85 = vector.broadcast %jit3A_84 : i32 to vector<4096x1024xi32>
    %select_n3A_86 = arith.select %ge3A_83, %iota3A_44, %broadcast_in_dim3A_85 : vector<4096x1024xi1>, vector<4096x1024xi32>
    %reduce_min3A_87 = arith.constant dense<2147483647> : vector<4096xi32>
    %reduce_min3A_88 = vector.multi_reduction <minsi>, %select_n3A_86, %reduce_min3A_87 [1] : vector<4096x1024xi32> to vector<4096xi32>
    %broadcast_in_dim3A_89 = vector.shape_cast %reduce_min3A_88 : vector<4096xi32> to vector<4096x1xi32>
    %add3A_90 = arith.constant 2048 : i32
    %add3A_91 = vector.broadcast %add3A_90 : i32 to vector<4096x1xi32>
    %add3A_92 = arith.addi %broadcast_in_dim3A_89, %add3A_91 : vector<4096x1xi32>
    %gt3A_93 = arith.cmpf ogt, %broadcast_in_dim3A_81, %max3A_75 : vector<4096x1xf32>
    %select_n3A_94 = arith.select %gt3A_93, %add3A_92, %select_n3A_74 : vector<4096x1xi1>, vector<4096x1xi32>
    %max3A_95 = arith.maximumf %max3A_75, %broadcast_in_dim3A_81 : vector<4096x1xf32>
    %slice3A_96 = vector.extract_strided_slice %convert_element_type3A_40 {offsets = [0, 3072], sizes = [64, 1024], strides = [1, 1]} : vector<64x4096xbf16> to vector<64x1024xbf16>
    %dot_general3A_97 = arith.constant dense<0.000000e+00> : vector<4096x1024xf32>
    %dot_general3A_98 = tpu.matmul %convert_element_type3A, %slice3A_96, %dot_general3A_97 {dimension_numbers = #tpu.dot_dimension_numbers<[0], [0], [1], [1], [0, 1, 1, 1], [], []>, transpose_lhs_hint = false} : vector<64x4096xbf16>, vector<64x1024xbf16>, vector<4096x1024xf32> -> vector<4096x1024xf32>
    %reduce_max3A_99 = arith.constant dense<0xFF800000> : vector<4096xf32>
    %reduce_max3A_100 = vector.multi_reduction <maximumf>, %dot_general3A_98, %reduce_max3A_99 [1] : vector<4096x1024xf32> to vector<4096xf32>
    %broadcast_in_dim3A_101 = vector.shape_cast %reduce_max3A_100 : vector<4096xf32> to vector<4096x1xf32>
    %ge3A_102 = vector.broadcast %broadcast_in_dim3A_101 : vector<4096x1xf32> to vector<4096x1024xf32>
    %ge3A_103 = arith.cmpf oge, %dot_general3A_98, %ge3A_102 : vector<4096x1024xf32>
    %jit3A_104 = arith.constant 1024 : i32
    %broadcast_in_dim3A_105 = vector.broadcast %jit3A_104 : i32 to vector<4096x1024xi32>
    %select_n3A_106 = arith.select %ge3A_103, %iota3A_44, %broadcast_in_dim3A_105 : vector<4096x1024xi1>, vector<4096x1024xi32>
    %reduce_min3A_107 = arith.constant dense<2147483647> : vector<4096xi32>
    %reduce_min3A_108 = vector.multi_reduction <minsi>, %select_n3A_106, %reduce_min3A_107 [1] : vector<4096x1024xi32> to vector<4096xi32>
    %broadcast_in_dim3A_109 = vector.shape_cast %reduce_min3A_108 : vector<4096xi32> to vector<4096x1xi32>
    %add3A_110 = arith.constant 3072 : i32
    %add3A_111 = vector.broadcast %add3A_110 : i32 to vector<4096x1xi32>
    %add3A_112 = arith.addi %broadcast_in_dim3A_109, %add3A_111 : vector<4096x1xi32>
    %gt3A_113 = arith.cmpf ogt, %broadcast_in_dim3A_101, %max3A_95 : vector<4096x1xf32>
    %select_n3A_114 = arith.select %gt3A_113, %add3A_112, %select_n3A_94 : vector<4096x1xi1>, vector<4096x1xi32>
    %squeeze3A = vector.shape_cast %select_n3A_114 : vector<4096x1xi32> to vector<4096xi32>
    %mul3A_115 = arith.constant 4096 : i32
    %mul3A_116 = arith.muli %arg0, %mul3A_115 : i32
    %add3A_117 = vector.broadcast %mul3A_116 : i32 to vector<4096xi32>
    %add3A_118 = arith.addi %squeeze3A, %add3A_117 : vector<4096xi32>
    %reshape3A = vector.shape_cast %add3A_118 : vector<4096xi32> to vector<1x32x128xi32>
    %swap3A_119 = arith.constant 0 : index
    %swap3A_120 = arith.constant 0 : index
    %swap3A_121 = arith.constant 0 : index
    %swap3A_122 = vector.load %arg5[%swap3A_119, %swap3A_120, %swap3A_121] : memref<1x32x128xi32, #tpu.memory_space<vmem>>, vector<1x32x128xi32>
    tpu.vector_store %arg5[%swap3A_119, %swap3A_120, %swap3A_121], %reshape3A {strides = array<i32>} : memref<1x32x128xi32, #tpu.memory_space<vmem>>, vector<1x32x128xi32>,
    return
  }
  func.func @transform_0(%arg0: i32, %arg1: i32) -> (i32, i32, i32) {
    %c0_i32 = arith.constant 0 : i32
    %c0_i32_0 = arith.constant 0 : i32
    %c0_i32_1 = arith.constant 0 : i32
    return %arg0, %c0_i32, %c0_i32_0 : i32, i32, i32
  }
  func.func @transform_1(%arg0: i32, %arg1: i32) -> (i32, i32, i32) {
    %c0_i32 = arith.constant 0 : i32
    %c0_i32_0 = arith.constant 0 : i32
    %c0_i32_1 = arith.constant 0 : i32
    return %arg0, %c0_i32, %c0_i32_0 : i32, i32, i32
  }
  func.func @transform_2(%arg0: i32, %arg1: i32) -> (i32, i32, i32) {
    %c0_i32 = arith.constant 0 : i32
    %c0_i32_0 = arith.constant 0 : i32
    return %arg0, %arg1, %c0_i32 : i32, i32, i32
  }
  func.func @transform_3(%arg0: i32, %arg1: i32) -> (i32, i32, i32) {
    %mul3A = arith.constant 1 : i32
    %mul3A_0 = arith.muli %arg0, %mul3A : i32
    %add3A = arith.addi %mul3A_0, %arg1 : i32
    %c0_i32 = arith.constant 0 : i32
    %c0_i32_1 = arith.constant 0 : i32
    %c0_i32_2 = arith.constant 0 : i32
    return %add3A, %c0_i32, %c0_i32_1 : i32, i32, i32
  }
}

</mosaic_0001>

<sc_bundles>
// kernel: kernel.5.cloned.1.call-start
scs
__scs_entry_jumppad:
0x0: {  	(pc) =	sbr.rel $0x88, $3  }
0x1: {  	(tag) =	ssettag $0x0;
	lr =	simm.s32 $0x1  }
0x2: {  	[smem:$0x3F9D] =	sst lr;
	_ =	strace $0xD0000000  }
0x3: {  	_ = 	snop  }
0x4: {  	_ = 	snop  }
0x5: {  	_ = 	snop  }
0x6: {  	_ = 	snop  }
0x7: {  	_ = 	snop  }
__scs_overlays_trampoline_lowered:
0x8: {  	[smem:$0x3FAC] =	sst s0  }
0x9: {  	[smem:$0x3FAD] =	sst s1  }
0xa: {  	[smem:$0x3FAE] =	sst s2  }
0xb: {  	[smem:$0x3FAF] =	sst s3  }
0xc: {  	[smem:$0x3FB0] =	sst s4  }
0xd: {  	[smem:$0x3FB1] =	sst s5  }
0xe: {  	[smem:$0x3FB2] =	sst s6  }
0xf: {  	[smem:$0x3FB3] =	sst s7  }
0x10: {  	[smem:$0x3FB4] =	sst s8  }
0x11: {  	[smem:$0x3FB5] =	sst s9;
	s0 =	simm.s32 @!p0 $0x0  }
0x12: {  	s1 =	sld [smem:$0x3F9B];
	s0 =	simm.s32 @p0 $0x1  }
0x13: {  	[smem:$0x3FB6] =	sst s0;
	s0 =	simm.s32 @!p1 $0x0  }
0x14: {  	s2 =	sld [smem:$0x3F9A];
	s0 =	simm.s32 @p1 $0x1  }
0x15: {  	[smem:$0x3FB7] =	sst s0;
	s0 =	simm.s32 @!p2 $0x0  }
0x16: {  	s3 =	sld [smem:$0x3FDB];
	s0 =	simm.s32 @p2 $0x1  }
0x17: {  	s4 =	simm.s32 $0x1BF5;
	[smem:$0x3FB9] =	sst s0  }
0x18: {  	s0 =	sld [smem:$0x3F9C];
	_ =	swait.ge [sflag:s4], $0x0  }
0x19: {  	s7 =	sld [smem:$0x3F9D]  }
0x1a: {  	s8 =	sadd.s32 $0xFFFFE003, lr  }
0x1b: {  	s9 =	sadd.s32 $0xFFFFFEF7, lr;
	s5 =	simm.s32 $0xFFFFFFFF;
	p2 =	slt.u32 s8, $0xFFFFF086  }
0x1c: {  	p1 =	slt.u32 s9, $0xF7A;
	s5 =	simm.s32 @!p2 $0x0  }
0x1d: {  	s5 =	simm.s32 @p1 $0x1;
	p0 =	seq.s32 s7, s2  }
0x1e: {  	s7 =	smul.u32 @!p0 $0xF7A, s2;
	p2 =	seq.s32 @!p0 s5, $0x0  }
0x1f: {  	s9 =	smul.u32 $0xF7A, s1;
	s8 =	simm.s32 @!p0 $0x1BF5;
	p2 =	por !p2, p0  }
0x20: {  	[sflag:s8] =	ssyncset.s32 @!p0 $0xFFFFF086;
	s6 =	sadd.s32 @!p0 s3, s7;
	s7 =	simm.s32 @!p0 $0x108  }
0x21: {  	s3 =	sadd.s32 s3, s9;
	s6 =	sadd.s32 @!p0 $0x88, s6;
	s7 =	simm.s32 @p2 $0x1082  }
0x22: {  	[simem:s7], [sflag:s8] =	dma.local @!p0 [hbm:s6], $0xF7A  }
0x23: {  	s9 =	sor.u32 $0xD0000000, s2;
	s6 =	simm.s32 $0x108;
	_ =	swait.ge @!p0 [sflag:s8], $0x0  }
0x24: {  	s3 =	sadd.s32 $0x88, s3;
	s6 =	simm.s32 @!p1 $0x1082;
	[sflag:s4] =	ssyncset.s32 $0xFFFFF086  }
0x25: {  	[simem:s6], [sflag:s4] =	dma.local [hbm:s3], $0xF7A  }
0x26: {  	[smem:$0x3F9D] =	sst s1;
	(tag) =	ssettag s2;
	_ =	strace s9  }
0x27: {  	s1 =	sld [smem:$0x3FAD]  }
0x28: {  	s2 =	sld [smem:$0x3FAE]  }
0x29: {  	s4 =	sld [smem:$0x3FB0]  }
0x2a: {  	p0 =	seq.s32 s5, $0x0;
	s5 =	sld [smem:$0x3FB1]  }
0x2b: {  	s6 =	sld [smem:$0x3FB2]  }
0x2c: {  	s7 =	sld [smem:$0x3FB3]  }
0x2d: {  	s3 =	simm.s32 $0x108;
	s8 =	sld [smem:$0x3FB4]  }
0x2e: {  	s3 =	simm.s32 @!p0 $0x1082;
	s9 =	sld [smem:$0x3FB5]  }
0x2f: {  	lr =	sadd.s32 s0, s3;
	s0 =	sld [smem:$0x3FAC]  }
0x30: {  	s3 =	sld [smem:$0x3FAF]  }
0x31: {  	[smem:$0x3FB8] =	sst s10  }
0x32: {  	s10 =	sld [smem:$0x3FB6];
	_ =	sdelay $0x3  }
0x33: {  	p0 =	seq.s32 s10, $0x1;
	s10 =	sld [smem:$0x3FB8];
	_ =	sdelay $0x3  }
0x34: {  	[smem:$0x3FB8] =	sst s10  }
0x35: {  	s10 =	sld [smem:$0x3FB7];
	_ =	sdelay $0x3  }
0x36: {  	p1 =	seq.s32 s10, $0x1;
	s10 =	sld [smem:$0x3FB8];
	_ =	sdelay $0x3  }
0x37: {  	[smem:$0x3FB8] =	sst s10  }
0x38: {  	s10 =	sld [smem:$0x3FB9]  }
0x39: {  	_ = 	snop;
	(pc) =	sbr.ind lr, $3  }
0x3a: {  	_ = 	snop  }
0x3b: {  	_ = 	snop  }
0x3c: {  	p2 =	seq.s32 s10, $0x1;
	s10 =	sld [smem:$0x3FB8]  }
0x3d: {  	_ =	shalt  }
0x3e: {  	_ =	shalt  }
0x3f: {  	_ =	shalt  }
0x40: {  	_ =	shalt  }
0x41: {  	_ =	shalt  }
0x42: {  	_ =	shalt  }
0x43: {  	_ =	shalt  }
0x44: {  	_ =	shalt  }
0x45: {  	_ =	shalt  }
0x46: {  	_ =	shalt  }
0x47: {  	_ =	shalt  }
0x48: {  	_ =	shalt  }
0x49: {  	_ =	shalt  }
0x4a: {  	_ =	shalt  }
0x4b: {  	_ =	shalt  }
0x4c: {  	_ =	shalt  }
0x4d: {  	_ =	shalt  }
0x4e: {  	_ =	shalt  }
0x4f: {  	_ =	shalt  }
0x50: {  	_ =	shalt  }
0x51: {  	_ =	shalt  }
0x52: {  	_ =	shalt  }
0x53: {  	_ =	shalt  }
0x54: {  	_ =	shalt  }
0x55: {  	_ =	shalt  }
0x56: {  	_ =	shalt  }
0x57: {  	_ =	shalt  }
0x58: {  	_ =	shalt  }
0x59: {  	_ =	shalt  }
0x5a: {  	_ =	shalt  }
0x5b: {  	_ =	shalt  }
0x5c: {  	_ =	shalt  }
0x5d: {  	_ =	shalt  }
0x5e: {  	_ =	shalt  }
0x5f: {  	_ =	shalt  }
0x60: {  	_ =	shalt  }
0x61: {  	_ =	shalt  }
0x62: {  	_ =	shalt  }
0x63: {  	_ =	shalt  }
0x64: {  	_ =	shalt  }
0x65: {  	_ =	shalt  }
0x66: {  	_ =	shalt  }
0x67: {  	_ =	shalt  }
0x68: {  	_ =	shalt  }
0x69: {  	_ =	shalt  }
0x6a: {  	_ =	shalt  }
0x6b: {  	_ =	shalt  }
0x6c: {  	_ =	shalt  }
0x6d: {  	_ =	shalt  }
0x6e: {  	_ =	shalt  }
0x6f: {  	_ =	shalt  }
0x70: {  	_ =	shalt  }
0x71: {  	_ =	shalt  }
0x72: {  	_ =	shalt  }
0x73: {  	_ =	shalt  }
0x74: {  	_ =	shalt  }
0x75: {  	_ =	shalt  }
0x76: {  	_ =	shalt  }
0x77: {  	_ =	shalt  }
0x78: {  	_ =	shalt  }
0x79: {  	_ =	shalt  }
0x7a: {  	_ =	shalt  }
0x7b: {  	_ =	shalt  }
0x7c: {  	_ =	shalt  }
0x7d: {  	_ =	shalt  }
0x7e: {  	_ =	shalt  }
0x7f: {  	_ =	shalt  }
0x80: {  	_ =	shalt  }
0x81: {  	_ =	shalt  }
0x82: {  	_ =	shalt  }
0x83: {  	_ =	shalt  }
0x84: {  	_ =	shalt  }
0x85: {  	_ =	shalt  }
0x86: {  	_ =	shalt  }
0x87: {  	_ =	shalt  }
.Lfunc_end0:
.L_simem_size_0:
called_computation_lowered:
.L_overlay_start_0:
0x88: {  	s2 =	sld [smem:$0x3FD9]  }
0x89: {  	s3 =	sld [smem:$0x3FFE];
	_ =	sdelay $0x1  }
0x8a: {  	s1 =	srdreg.scid  }
0x8b: {  	s0 =	sand.u32 $0x1, s1  }
0x8c: {  	s17 =	sshll.u32 s0, $0xA;
	s2 =	sadd.s32 s3, s2  }
0x8d: {  	s2 =	sadd.s32 s2, s17  }
0x8e: {  	[smem:$0x3FC4] =	sst s2  }
0x8f: {  	_ = 	snop  }
0x90: {  	s2 =	sld [smem:$0x3FD0];
	(tm) =	ssettm $0x1  }
0x91: {  	s18 =	sld [smem:$0x3FFB];
	_ =	sdelay $0x3  }
0x92: {  	_ =	strace s18  }
0x93: {  	s3 =	sld [smem:$0x3FFC];
	_ =	sdelay $0x3  }
0x94: {  	_ =	strace s3  }
0x95: {  	s3 =	sld [smem:$0x3FFD];
	_ =	sdelay $0x3  }
0x96: {  	_ =	strace s3  }
0x97: {  	_ =	strace $0x8FFFFFFF  }
0x98: {  	s19 =	sld [smem:$0x3FDB];
	_ =	sdelay $0x1  }
0x99: {  	s4 =	simm.s32 $_scs_section_size  }
0x9a: {  	s5 =	simm.s32 $_size__tile_overlayer_lowered;
	s6 =	simm.s32 $_tile_overlayer_lowered  }
0x9b: {  	s22 =	simm.s32 $0x1BFF;
	s21 =	sshll.u32 s6, $0x1;
	s3 =	sadd.s32 s4, s19  }
0x9c: {  	s7 =	simm.s32 $0x0;
	s20 =	sshll.u32 s5, $0x1;
	s5 =	sadd.s32 s21, s3  }
0x9d: {  	[timem:s7], [sflag:s22] =	dma.local [hbm:s5], s20  }
0x9e: {  	_ =	swait.ge [sflag:s22], s20  }
0x9f: {  	s4 =	ssub.s32 $0x0, s20;
	[sflag:s22] =	ssyncset.done $0x0  }
0xa0: {  	[sflag:s22] =	ssyncadd.s32 s4;
	_ =	sdelay $0x1  }
0xa1: {  	s23 =	simm.s32 $0x1B8B  }
0xa2: {  	_ =	swait.ge [sflag:s23], $0x1  }
0xa3: {  	[sflag:s23] =	ssyncset.done $0x0  }
0xa4: {  	s25 =	simm.s32 $0x1B8E;
	s24 =	sld [smem:$0x3FFE];
	[sflag:s23] =	ssyncadd.s32 $0xFFFFFFFF  }
0xa5: {  	s26 =	simm.s32 $execute0_lowered;
	[smem:$0x3FD2] =	sst s25  }
0xa6: {  	s5 =	sshll.u32 s26, $0x1;
	_ =	strace $0x80000046;
	[dreg:$0x1] =	wrdreg $0xFFFFFFFF  }
0xa7: {  	s28 =	simm.s32 $_size_execute0_lowered;
	s3 =	sadd.s32 s3, s5;
	[dreg:$0x0] =	wrdreg $0x0  }
0xa8: {  	s5 =	sshll.u32 s28, $0x1;
	[dreg:$0x2] =	wrdreg s3  }
0xa9: {  	[dreg:$0x3] =	wrdreg s5  }
0xaa: {  	[dreg:$0x4] =	wrdreg $0xC0  }
0xab: {  	_ =	task [dreg:s7], $0x5FFFF  }
0xac: {  	[dreg:$0x1] =	wrdreg $0xFFFFFFFF  }
0xad: {  	[dreg:$0x0] =	wrdreg $0x60  }
0xae: {  	[dreg:$0x2] =	wrdreg s2  }
0xaf: {  	[dreg:$0x3] =	wrdreg s24  }
0xb0: {  	[dreg:$0x4] =	wrdreg $0x9  }
0xb1: {  	_ =	task.clear_ibuf [dreg:s7], $0x5FFFF;
	_ =	strace $0x90000046  }
0xb2: {  	s29 =	simm.s32 $0x9;
	_ =	strace $0x80000048  }
0xb3: {  	_ =	swait.ge [sflag:s29], $0x1  }
0xb4: {  	[sflag:s29] =	ssyncadd.s32 $0xFFFFFFFF  }
0xb5: {  	_ =	strace $0x90000048  }
0xb6: {  	_ =	sfence  }
0xb7: {  	s30 =	sld [smem:$0x0];
	_ =	sdelay $0x2  }
0xb8: {  	s31 =	sshll.u32 s1, $0xD;
	s1 =	sshrl.u32 s1, $0x2  }
0xb9: {  	s3 =	sand.u32 $0x4000, s31;
	s1 =	sadd.s32 s1, s30  }
0xba: {  	s0 =	sor.u32 s3, s0;
	s1 =	sshll.u32 s1, $0x11  }
0xbb: {  	s0 =	sor.u32 s1, s0  }
0xbc: {  	s0 =	sadd.s32 $0x8F2B, s0  }
0xbd: {  	[sflag:s0] =	ssyncadd.remote.s32 $0x1  }
0xbe: {  	_ =	sfence.sel $0xFFFF  }
0xbf: {  	[dreg:$0x0] =	wrdreg $0xFFFFFFFF;
	(pc) =	sbr.abs _section_cstart, $3  }
0xc0: {  	[dreg:$0x1] =	wrdreg $0xFFFFFFFF  }
0xc1: {  	_ =	task.clear_ibuf [dreg:s7], $0x2FFFF;
	_ =	strace $0x9FFFFFFF  }
0xc2: {  	(tm) =	ssettm $0x7FFFFFFF  }
0xc3: {  	_ =	shalt  }
tec
execute0_lowered:
.L_overlay_start_1:
0x0: {  	(tag) =	ssettag $0x1  }
0x1: {  	s1 =	rddreg [dreg:$0x0]  }
0x2: {  	s0 =	stileid.u32;
	s2 =	srdreg.scid  }
0x3: {  	s14 =	rddreg [dreg:$0x1];
	s15 =	sand.u32 $0x1, s2;
	s28 =	sshll.u32 s0, $0x3  }
0x4: {  	s16 =	sshrl.u32 s0, $0x2;
	s3 =	sshll.u32 s15, $0x2;
	s4 =	sand.u32 $0x18, s28  }
0x5: {  	s2 =	rddreg [dreg:$0x2];
	s5 =	sshll.u32 s16, $0x9;
	s17 =	sor.u32 s3, s4  }
0x6: {  	s3 =	simm.s32 $0x0;
	s29 =	sadd.s32 s5, s14;
	s30 =	sshll.u32 s17, $0x4  }
0x7: {  	[smem:$0x7FF] =	sst s3;
	s4 =	sadd.s32 s30, s29  }
0x8: {  	_ =	strace $0x80000047;
	s5 =	sadd.s32 $0x1000, s4;
	s4 =	simm.s32 $0x2  }
0x9: {  	[tilespmem:s3], [sflag:$0x2] =	stream.linear.gather [hbm4b:s5+s3], $0x200, $0x38;
	[tilespmem:$0x10200] =	vst v63  }
0xa: {  	_ =	swait.ge [sflag:s4], $0x200  }
0xb: {  	[sflag:s4] =	ssyncset.done $0x0  }
0xc: {  	s6 =	simm.s32 $0x80;
	s7 =	simm.s32 $0x200;
	[sflag:s4] =	ssyncadd.s32 $0xFFFFFE00  }
0xd: {  	[tilespmem:s7], [sflag:$0x1] =	stream.indirect.gather [hbm4b:s1+s6], $0x80, s3, s6, $0xb8;
	[tilespmem:$0x10200] =	vst v63  }
0xe: {  	s8 =	simm.s32 $0x4200  }
0xf: {  	[tilespmem:s8], [sflag:$0x1] =	stream.indirect.gather [hbm4b:s1+s6], $0x80, s6, s6, $0xb8;
	[tilespmem:$0x10200] =	vst v63  }
0x10: {  	s9 =	simm.s32 $0x100;
	s10 =	simm.s32 $0x8200  }
0x11: {  	[tilespmem:s10], [sflag:$0x1] =	stream.indirect.gather [hbm4b:s1+s6], $0x80, s9, s6, $0xb8;
	[tilespmem:$0x10200] =	vst v63  }
0x12: {  	s11 =	simm.s32 $0x180;
	s12 =	simm.s32 $0xC200;
	s13 =	simm.s32 $0x1  }
0x13: {  	[tilespmem:s12], [sflag:$0x1] =	stream.indirect.gather [hbm4b:s1+s6], $0x80, s11, s6, $0xb8;
	[tilespmem:$0x10200] =	vst v63  }
0x14: {  	_ =	swait.ge [sflag:s13], $0x4000  }
0x15: {  	[sflag:s13] =	ssyncset.done $0x0  }
0x16: {  	[sflag:s13] =	ssyncadd.s32 $0xFFFFC000  }
0x17: {  	_ =	swait.ge [sflag:s13], $0x4000  }
0x18: {  	[sflag:s13] =	ssyncset.done $0x0  }
0x19: {  	s15 =	ssub.s32 $0x2, s15;
	[sflag:s13] =	ssyncadd.s32 $0xFFFFC000  }
0x1a: {  	s31 =	sshrl.u32 s15, $0x1;
	_ =	swait.ge [sflag:s13], $0x4000  }
0x1b: {  	s16 =	sshll.u32 s16, $0x10;
	s15 =	ssub.s32 s15, s31;
	[sflag:s13] =	ssyncset.done $0x0  }
0x1c: {  	s14 =	sadd.s32 s16, s14;
	s15 =	smax.u32 s15, $0x1;
	[sflag:s13] =	ssyncadd.s32 $0xFFFFC000  }
0x1d: {  	s17 =	sshll.u32 s17, $0xB;
	p0 =	sne.s32 s15, $0x1;
	_ =	swait.ge [sflag:s13], $0x4000  }
.Ltmp0:
0x1e: {  	s14 =	sadd.s32 s17, s14;
	[sflag:s13] =	ssyncset.done $0x0;
	(pc) =	sbr.rel @!p0 .LBB2_2-.Ltmp0, $4  }
0x1f: {  	s14 =	sadd.s32 $0x1800, s14;
	[sflag:s13] =	ssyncadd.s32 $0xFFFFC000  }
0x20: {  	[hbm4b:s14+s3] =	stream.linear.scatter [tilespmem:s7], [sflag:$0x2], $0x10000, $0x38;
	[tilespmem:$0x10200] =	vst v63  }
0x21: {  	_ =	swait.ge [sflag:s4], $0x10000  }
0x22: {  	s15 =	sadd.s32 $0xFFFFFFFF, s15;
	[sflag:s4] =	ssyncset.done $0x0  }
.LBB2_1:
0x23: {  	p0 =	sne.s32 s15, $0x1;
	s15 =	sadd.s32 $0xFFFFFFFF, s15;
	[sflag:s4] =	ssyncadd.s32 $0xFFFF0000  }
0x24: {  	[tilespmem:s3], [sflag:$0x2] =	stream.linear.gather [hbm4b:s5+s3], $0x200, $0x38;
	[tilespmem:$0x10200] =	vst v63  }
0x25: {  	_ =	swait.ge [sflag:s4], $0x200  }
0x26: {  	[sflag:s4] =	ssyncset.done $0x0  }
0x27: {  	[sflag:s4] =	ssyncadd.s32 $0xFFFFFE00  }
0x28: {  	[tilespmem:s7], [sflag:$0x1] =	stream.indirect.gather [hbm4b:s1+s6], $0x80, s3, s6, $0xb8;
	[tilespmem:$0x10200] =	vst v63  }
0x29: {  	_ = 	snop  }
0x2a: {  	[tilespmem:s8], [sflag:$0x1] =	stream.indirect.gather [hbm4b:s1+s6], $0x80, s6, s6, $0xb8;
	[tilespmem:$0x10200] =	vst v63  }
0x2b: {  	_ = 	snop  }
0x2c: {  	[tilespmem:s10], [sflag:$0x1] =	stream.indirect.gather [hbm4b:s1+s6], $0x80, s9, s6, $0xb8;
	[tilespmem:$0x10200] =	vst v63  }
0x2d: {  	_ = 	snop  }
0x2e: {  	[tilespmem:s12], [sflag:$0x1] =	stream.indirect.gather [hbm4b:s1+s6], $0x80, s11, s6, $0xb8;
	[tilespmem:$0x10200] =	vst v63  }
0x2f: {  	_ =	swait.ge [sflag:s13], $0x4000  }
0x30: {  	[sflag:s13] =	ssyncset.done $0x0  }
0x31: {  	[sflag:s13] =	ssyncadd.s32 $0xFFFFC000  }
0x32: {  	_ =	swait.ge [sflag:s13], $0x4000  }
0x33: {  	[sflag:s13] =	ssyncset.done $0x0  }
0x34: {  	[sflag:s13] =	ssyncadd.s32 $0xFFFFC000  }
0x35: {  	_ =	swait.ge [sflag:s13], $0x4000  }
0x36: {  	[sflag:s13] =	ssyncset.done $0x0  }
0x37: {  	[sflag:s13] =	ssyncadd.s32 $0xFFFFC000  }
0x38: {  	_ =	swait.ge [sflag:s13], $0x4000  }
.Ltmp1:
0x39: {  	[sflag:s13] =	ssyncset.done $0x0;
	(pc) =	sbr.rel @p0 .LBB2_1-.Ltmp1, $4  }
0x3a: {  	[sflag:s13] =	ssyncadd.s32 $0xFFFFC000  }
0x3b: {  	[hbm4b:s14+s3] =	stream.linear.scatter [tilespmem:s7], [sflag:$0x2], $0x10000, $0x38;
	[tilespmem:$0x10200] =	vst v63  }
0x3c: {  	_ =	swait.ge [sflag:s4], $0x10000  }
0x3d: {  	[sflag:s4] =	ssyncset.done $0x0  }
.LBB2_2:
0x3e: {  	[sflag:s4] =	ssyncadd.s32 $0xFFFF0000  }
0x3f: {  	_ =	sfence.sel $0x180000  }
0x40: {  	[bflag:$0x0] =	sbarrier.arrive $0xFFFF  }
0x41: {  	p0 =	sne.s32 s0, $0x0;
	_ =	strace $0x90000047  }
0x42: {  	s0 =	sadd.s32 @!p0 $0x100000, s2;
	[bflag:$0x2] =	sbarrier.arrive $0xFFFF  }
0x43: {  	[sflag:s0] =	ssyncadd.tile.s32 @!p0 $0x1;
	_ =	shalt  }
.Lfunc_end2:
_tile_overlayer_lowered:
.L_overlay_start_2:
0x44: {  	(tag) =	ssettag $0x2  }
0x45: {  	s0 =	rddreg [dreg:$0x0];
	s2 =	stileid.u32  }
0x46: {  	s1 =	rddreg [dreg:$0x1];
	p0 =	sne.s32 s2, $0x0  }
0x47: {  	s3 =	rddreg [dreg:$0x2];
	[bflag:$0x3] =	sbarrier.arrive $0xFFFF;
	s2 =	simm.s32 @!p0 $0x1C02  }
0x48: {  	[timem:s3], [sflag:s2] =	dma.local @!p0 [hbm:s0], s1  }
0x49: {  	s0 =	simm.s32 @!p0 $0x2  }
0x4a: {  	_ =	swait.ge @!p0 [sflag:s0], s1  }
0x4b: {  	s1 =	ssub.s32 @!p0 $0x0, s1;
	[sflag:s0] =	ssyncset.done @!p0 $0x0  }
0x4c: {  	[sflag:s0] =	ssyncadd.s32 @!p0 s1  }
0x4d: {  	[bflag:$0x3] =	sbarrier.arrive $0xFFFF  }
0x4e: {  	_ =	shalt  }

</sc_bundles>
